<compile_context>
chip_gen: v7x
topology: tpu7x:2x2x1
jax: 0.10.2.dev20260603
libtpu: 0.0.44.dev20260713+nightly
codegen_flags: <defaults>
</compile_context>

<pallas_src>
import functools

import jax
import jax.numpy as jnp
from jax import lax
from jax.experimental import pallas as pl
from jax.experimental.pallas import tpu as pltpu
from jax.experimental.pallas import tpu_sc as plsc

N_CODES = 8192
D_CODE = 32
M_ROWS = 8192
CB = 512
NB = N_CODES // CB


TILE = 2048
BPT = TILE // CB


def _vq_argmin_body(az_ref, bw_ref, z_ref, w_ref, idx_out, loss_out,
                    tv_ref, ti_ref, gv_ref, ge_ref, gi_ref):
    j = pl.program_id(0)
    z = z_ref[...]
    w2 = w_ref[...]
    m2 = lax.dot_general(w2, z, (((1,), (1,)), ((), ())),
                         preferred_element_type=jnp.float32)
    d = (bw_ref[...] + az_ref[...]) - m2
    rm = jnp.min(d, axis=0, keepdims=True)
    iota = lax.broadcasted_iota(jnp.int32, (CB, 1), 0).astype(jnp.float32)
    im = jnp.min(jnp.where(d == rm, iota, jnp.float32(N_CODES)), axis=0,
                 keepdims=True).astype(jnp.int32) + j * CB

    @pl.when(j == 0)
    def _init_global():
        gv_ref[...] = jnp.full((1, M_ROWS), jnp.inf, jnp.float32)
        ge_ref[...] = jnp.zeros((1, M_ROWS), jnp.float32)
        gi_ref[...] = jnp.zeros((1, M_ROWS), jnp.int32)

    @pl.when(j % BPT == 0)
    def _init_tile():
        tv_ref[...] = rm
        ti_ref[...] = im

    @pl.when(j % BPT > 0)
    def _update_tile():
        upd = rm < tv_ref[...]
        tv_ref[...] = jnp.where(upd, rm, tv_ref[...])
        ti_ref[...] = jnp.where(upd, im, ti_ref[...])

    @pl.when(j % BPT == BPT - 1)
    def _combine_tile():
        tv = tv_ref[...]
        upd = tv < gv_ref[...]
        gv_ref[...] = jnp.where(upd, tv, gv_ref[...]).astype(
            jnp.bfloat16).astype(jnp.float32)
        ge_ref[...] = jnp.where(upd, tv, ge_ref[...])
        gi_ref[...] = jnp.where(upd, ti_ref[...], gi_ref[...])

    @pl.when(j == NB - 1)
    def _finish():
        idx_out[...] = gi_ref[...]
        loss_out[...] = jnp.full((1, 1), 0.25 / (M_ROWS * D_CODE),
                                 jnp.float32) * jnp.sum(ge_ref[...])


def _vq_argmin(az, bw, zf, W):
    return pl.pallas_call(
        _vq_argmin_body,
        grid=(NB,),
        in_specs=[
            pl.BlockSpec((1, M_ROWS), lambda j: (0, 0)),
            pl.BlockSpec((CB, 1), lambda j: (j, 0)),
            pl.BlockSpec((M_ROWS, D_CODE), lambda j: (0, 0)),
            pl.BlockSpec((CB, D_CODE), lambda j: (j, 0)),
        ],
        out_specs=[
            pl.BlockSpec((1, M_ROWS), lambda j: (0, 0)),
            pl.BlockSpec((1, 1), lambda j: (0, 0)),
        ],
        out_shape=[
            jax.ShapeDtypeStruct((1, M_ROWS), jnp.int32),
            jax.ShapeDtypeStruct((1, 1), jnp.float32),
        ],
        scratch_shapes=[
            pltpu.VMEM((1, M_ROWS), jnp.float32),
            pltpu.VMEM((1, M_ROWS), jnp.int32),
            pltpu.VMEM((1, M_ROWS), jnp.float32),
            pltpu.VMEM((1, M_ROWS), jnp.float32),
            pltpu.VMEM((1, M_ROWS), jnp.int32),
        ],
    )(az, bw, zf, W)


def _gather_body(w_hbm, idx_hbm, out_hbm, idx_a, idx_b, rows_a, rows_b,
                 sem_a, sem_b):
    info = plsc.get_sparse_core_info()
    nc = info.num_cores
    wid = lax.axis_index("s") * nc + lax.axis_index("c")
    base = wid * 256
    pltpu.sync_copy(idx_hbm.at[pl.ds(base, 128)], idx_a)
    pltpu.sync_copy(idx_hbm.at[pl.ds(base + 128, 128)], idx_b)
    cp_a = pltpu.async_copy(w_hbm.at[idx_a], rows_a, sem_a)
    cp_b = pltpu.async_copy(w_hbm.at[idx_b], rows_b, sem_b)
    cp_a.wait()
    cp_b.wait()
    pltpu.sync_copy(rows_a, out_hbm.at[pl.ds(base, 128)])
    pltpu.sync_copy(rows_b, out_hbm.at[pl.ds(base + 128, 128)])


def _sc_gather(W_pad, idx):
    mesh = plsc.VectorSubcoreMesh(core_axis_name="c", subcore_axis_name="s")
    k = functools.partial(
        pl.kernel,
        mesh=mesh,
        out_type=jax.ShapeDtypeStruct((M_ROWS, 128), jnp.float32),
        scratch_types=[
            pltpu.VMEM((128,), jnp.int32),
            pltpu.VMEM((128,), jnp.int32),
            pltpu.VMEM((128, 128), jnp.float32),
            pltpu.VMEM((128, 128), jnp.float32),
            pltpu.SemaphoreType.DMA,
            pltpu.SemaphoreType.DMA,
        ],
    )(_gather_body)
    return k(W_pad, idx)


def kernel(z, W):
    B, T, D = z.shape
    zf = z.reshape(-1, D)
    az = jnp.sum(zf ** 2, axis=-1)[None, :]
    bw = jnp.sum(W ** 2, axis=-1, keepdims=True)
    idx2, loss = _vq_argmin(az, bw, zf, W + W)
    idx = idx2.reshape(-1)
    W_pad = jnp.pad(W, ((0, 0), (0, 128 - D)))
    zq = _sc_gather(W_pad, idx)[:, :D]
    return zq.reshape(B, T, D), loss.reshape(()), idx.reshape(B, T)

# --- scband reference (transcript-rebuilt; emitter-appended) ---
"""Pipeline reference for scband-vector-quantizer-67568425501016 (READ-ONLY COPY).

The authoritative reference and input builder live on the scoring server;
editing this copy changes nothing except your own understanding.
"""

import jax, jax.numpy as jnp
import numpy as np

CODEBOOK_SIZE = 8192
CODE_DIM = 32
COMMITMENT_COST = 0.25


def setup_inputs(seed: int = 0) -> dict:
    key = jax.random.key(seed)
    k1, k2 = jax.random.split(key)
    z = jax.random.normal(k1, (8, 1024, CODE_DIM), dtype=jnp.float32)
    # codebook initialized uniform(-1/K, 1/K) as in the torch module
    W = jax.random.uniform(k2, (CODEBOOK_SIZE, CODE_DIM), dtype=jnp.float32,
                           minval=-1.0 / CODEBOOK_SIZE, maxval=1.0 / CODEBOOK_SIZE)
    return {"z": z, "W": W}


def reference(z, W):
    input_shape = z.shape
    if len(input_shape) == 3:
        B, T, D = z.shape
        z_flat = z.reshape(-1, D)
    else:
        z_flat = z
    # squared euclidean distances to all codebook entries
    distances = (jnp.sum(z_flat ** 2, axis=-1, keepdims=True)
                 + jnp.sum(W ** 2, axis=-1)
                 - 2.0 * jnp.matmul(z_flat, W.T))
    indices = jnp.argmin(distances, axis=-1)
    z_q = jnp.take(W, indices, axis=0)
    # training=True, use_ema=True path: vq_loss = commitment_cost * mse(z, sg(z_q))
    commitment_loss = jnp.mean((z_flat - jax.lax.stop_gradient(z_q)) ** 2)
    vq_loss = COMMITMENT_COST * commitment_loss
    # straight-through estimator
    z_q = z_flat + jax.lax.stop_gradient(z_q - z_flat)
    if len(input_shape) == 3:
        z_q = z_q.reshape(B, T, D)
        indices = indices.reshape(B, T)
    return (z_q, vq_loss, indices)

if __name__ == "__main__":
    import jax
    _d = setup_inputs()
    print(jax.jit(kernel)(*tuple(_d.values())))

</pallas_src>

<mosaic_0001>
#map = affine_map<(d0, d1) -> (0, 0)>
#map1 = affine_map<(d0, d1) -> (0)>
module attributes {stable_mosaic.version = 14 : i64} {
  func.func @_gather_body(%arg0: i32, %arg1: i32, %arg2: memref<8192x128xf32, #tpu.memory_space<hbm>>, %arg3: memref<8192xi32, #tpu.memory_space<hbm>>, %arg4: memref<8192x128xf32, #tpu.memory_space<hbm>>, %arg5: memref<128xi32, #tpu.memory_space<vmem>>, %arg6: memref<128xi32, #tpu.memory_space<vmem>>, %arg7: memref<128x128xf32, #tpu.memory_space<vmem>>, %arg8: memref<128x128xf32, #tpu.memory_space<vmem>>, %arg9: memref<!tpu.dma_semaphore, #tpu.memory_space<semaphore_mem>>, %arg10: memref<!tpu.dma_semaphore, #tpu.memory_space<semaphore_mem>>) attributes {dimension_semantics = [#tpu.dimension_semantics<core_parallel>, #tpu.dimension_semantics<subcore_parallel>], iteration_bounds = array<i64: 2, 16>, scalar_prefetch = 0 : i64, scratch_operands = 6 : i64, tpu.core_type = #tpu.core_type<sc_vector_subcore>, window_params = [{transform_indices = #map}, {transform_indices = #map1}, {transform_indices = #map}]} {
    %mul3A = arith.constant 2 : i32
    %mul3A_0 = arith.muli %arg1, %mul3A : i32
    %add3A = arith.addi %mul3A_0, %arg0 : i32
    %mul3A_1 = arith.constant 256 : i32
    %mul3A_2 = arith.muli %add3A, %mul3A_1 : i32
    "tpu.region"() ({
      %run_scoped3A = tpu.sem_alloc : memref<!tpu.dma_semaphore, #tpu.memory_space<semaphore_mem>>
      %dma_start3A_17 = tpu.memref_slice %arg3[%mul3A_2] : memref<8192xi32, #tpu.memory_space<hbm>> -> memref<128xi32, #tpu.memory_space<hbm>>
      %dma_start3A_18 = tpu.memref_slice %arg3[%mul3A_2] : memref<8192xi32, #tpu.memory_space<hbm>> -> memref<128xi32, #tpu.memory_space<hbm>>
      tpu.enqueue_dma source(%dma_start3A_18 : memref<128xi32, #tpu.memory_space<hbm>>) target(%arg5 : memref<128xi32, #tpu.memory_space<vmem>>) target_semaphore(%run_scoped3A : memref<!tpu.dma_semaphore, #tpu.memory_space<semaphore_mem>>)
      %dma_wait3A_19 = tpu.memref_slice %arg3[%mul3A_2] : memref<8192xi32, #tpu.memory_space<hbm>> -> memref<128xi32, #tpu.memory_space<hbm>>
      %dma_wait3A_20 = tpu.memref_slice %arg3[%mul3A_2] : memref<8192xi32, #tpu.memory_space<hbm>> -> memref<128xi32, #tpu.memory_space<hbm>>
      tpu.wait_dma2 semaphore(%run_scoped3A : memref<!tpu.dma_semaphore, #tpu.memory_space<semaphore_mem>>) src(%dma_wait3A_20 : memref<128xi32, #tpu.memory_space<hbm>>) dst(%arg5 : memref<128xi32, #tpu.memory_space<vmem>>)
      tpu.yield
    }) : () -> ()
    %add3A_3 = arith.constant 128 : i32
    %add3A_4 = arith.addi %mul3A_2, %add3A_3 : i32
    "tpu.region"() ({
      %run_scoped3A = tpu.sem_alloc : memref<!tpu.dma_semaphore, #tpu.memory_space<semaphore_mem>>
      %dma_start3A_17 = tpu.memref_slice %arg3[%add3A_4] : memref<8192xi32, #tpu.memory_space<hbm>> -> memref<128xi32, #tpu.memory_space<hbm>>
      %dma_start3A_18 = tpu.memref_slice %arg3[%add3A_4] : memref<8192xi32, #tpu.memory_space<hbm>> -> memref<128xi32, #tpu.memory_space<hbm>>
      tpu.enqueue_dma source(%dma_start3A_18 : memref<128xi32, #tpu.memory_space<hbm>>) target(%arg6 : memref<128xi32, #tpu.memory_space<vmem>>) target_semaphore(%run_scoped3A : memref<!tpu.dma_semaphore, #tpu.memory_space<semaphore_mem>>)
      %dma_wait3A_19 = tpu.memref_slice %arg3[%add3A_4] : memref<8192xi32, #tpu.memory_space<hbm>> -> memref<128xi32, #tpu.memory_space<hbm>>
      %dma_wait3A_20 = tpu.memref_slice %arg3[%add3A_4] : memref<8192xi32, #tpu.memory_space<hbm>> -> memref<128xi32, #tpu.memory_space<hbm>>
      tpu.wait_dma2 semaphore(%run_scoped3A : memref<!tpu.dma_semaphore, #tpu.memory_space<semaphore_mem>>) src(%dma_wait3A_20 : memref<128xi32, #tpu.memory_space<hbm>>) dst(%arg6 : memref<128xi32, #tpu.memory_space<vmem>>)
      tpu.yield
    }) : () -> ()
    %dma_start3A = arith.constant 0 : i32
    %dma_start3A_5 = arith.constant 0 : i32
    %dma_start3A_6 = tpu.memref_slice %arg2[%dma_start3A, %dma_start3A_5] : memref<8192x128xf32, #tpu.memory_space<hbm>> -> memref<8192x128xf32, #tpu.memory_space<hbm>>
    tpu.enqueue_indirect_dma source(%dma_start3A_6 : memref<8192x128xf32, #tpu.memory_space<hbm>>) target(%arg7 : memref<128x128xf32, #tpu.memory_space<vmem>>) offsets(%arg5 : memref<128xi32, #tpu.memory_space<vmem>>) semaphore(%arg9 : memref<!tpu.dma_semaphore, #tpu.memory_space<semaphore_mem>>)
    %dma_start3A_7 = arith.constant 0 : i32
    %dma_start3A_8 = arith.constant 0 : i32
    %dma_start3A_9 = tpu.memref_slice %arg2[%dma_start3A_7, %dma_start3A_8] : memref<8192x128xf32, #tpu.memory_space<hbm>> -> memref<8192x128xf32, #tpu.memory_space<hbm>>
    tpu.enqueue_indirect_dma source(%dma_start3A_9 : memref<8192x128xf32, #tpu.memory_space<hbm>>) target(%arg8 : memref<128x128xf32, #tpu.memory_space<vmem>>) offsets(%arg6 : memref<128xi32, #tpu.memory_space<vmem>>) semaphore(%arg10 : memref<!tpu.dma_semaphore, #tpu.memory_space<semaphore_mem>>)
    %dma_wait3A = arith.constant 0 : i32
    %dma_wait3A_10 = arith.constant 0 : i32
    %dma_wait3A_11 = tpu.memref_slice %arg2[%dma_wait3A, %dma_wait3A_10] : memref<8192x128xf32, #tpu.memory_space<hbm>> -> memref<8192x128xf32, #tpu.memory_space<hbm>>
    tpu.wait_indirect_dma semaphore(%arg9 : memref<!tpu.dma_semaphore, #tpu.memory_space<semaphore_mem>>) src(%dma_wait3A_11 : memref<8192x128xf32, #tpu.memory_space<hbm>>) dst(%arg7 : memref<128x128xf32, #tpu.memory_space<vmem>>)
    %dma_wait3A_12 = arith.constant 0 : i32
    %dma_wait3A_13 = arith.constant 0 : i32
    %dma_wait3A_14 = tpu.memref_slice %arg2[%dma_wait3A_12, %dma_wait3A_13] : memref<8192x128xf32, #tpu.memory_space<hbm>> -> memref<8192x128xf32, #tpu.memory_space<hbm>>
    tpu.wait_indirect_dma semaphore(%arg10 : memref<!tpu.dma_semaphore, #tpu.memory_space<semaphore_mem>>) src(%dma_wait3A_14 : memref<8192x128xf32, #tpu.memory_space<hbm>>) dst(%arg8 : memref<128x128xf32, #tpu.memory_space<vmem>>)
    "tpu.region"() ({
      %run_scoped3A = tpu.sem_alloc : memref<!tpu.dma_semaphore, #tpu.memory_space<semaphore_mem>>
      %dma_start3A_17 = arith.constant 0 : i32
      %dma_start3A_18 = tpu.memref_slice %arg4[%mul3A_2, %dma_start3A_17] : memref<8192x128xf32, #tpu.memory_space<hbm>> -> memref<128x128xf32, #tpu.memory_space<hbm>>
      %dma_start3A_19 = arith.constant 0 : i32
      %dma_start3A_20 = tpu.memref_slice %arg4[%mul3A_2, %dma_start3A_19] : memref<8192x128xf32, #tpu.memory_space<hbm>> -> memref<128x128xf32, #tpu.memory_space<hbm>>
      tpu.enqueue_dma source(%arg7 : memref<128x128xf32, #tpu.memory_space<vmem>>) target(%dma_start3A_20 : memref<128x128xf32, #tpu.memory_space<hbm>>) target_semaphore(%run_scoped3A : memref<!tpu.dma_semaphore, #tpu.memory_space<semaphore_mem>>)
      %dma_wait3A_21 = arith.constant 0 : i32
      %dma_wait3A_22 = tpu.memref_slice %arg4[%mul3A_2, %dma_wait3A_21] : memref<8192x128xf32, #tpu.memory_space<hbm>> -> memref<128x128xf32, #tpu.memory_space<hbm>>
      %dma_wait3A_23 = arith.constant 0 : i32
      %dma_wait3A_24 = tpu.memref_slice %arg4[%mul3A_2, %dma_wait3A_23] : memref<8192x128xf32, #tpu.memory_space<hbm>> -> memref<128x128xf32, #tpu.memory_space<hbm>>
      tpu.wait_dma2 semaphore(%run_scoped3A : memref<!tpu.dma_semaphore, #tpu.memory_space<semaphore_mem>>) src(%arg7 : memref<128x128xf32, #tpu.memory_space<vmem>>) dst(%dma_wait3A_24 : memref<128x128xf32, #tpu.memory_space<hbm>>)
      tpu.yield
    }) : () -> ()
    %add3A_15 = arith.constant 128 : i32
    %add3A_16 = arith.addi %mul3A_2, %add3A_15 : i32
    "tpu.region"() ({
      %run_scoped3A = tpu.sem_alloc : memref<!tpu.dma_semaphore, #tpu.memory_space<semaphore_mem>>
      %dma_start3A_17 = arith.constant 0 : i32
      %dma_start3A_18 = tpu.memref_slice %arg4[%add3A_16, %dma_start3A_17] : memref<8192x128xf32, #tpu.memory_space<hbm>> -> memref<128x128xf32, #tpu.memory_space<hbm>>
      %dma_start3A_19 = arith.constant 0 : i32
      %dma_start3A_20 = tpu.memref_slice %arg4[%add3A_16, %dma_start3A_19] : memref<8192x128xf32, #tpu.memory_space<hbm>> -> memref<128x128xf32, #tpu.memory_space<hbm>>
      tpu.enqueue_dma source(%arg8 : memref<128x128xf32, #tpu.memory_space<vmem>>) target(%dma_start3A_20 : memref<128x128xf32, #tpu.memory_space<hbm>>) target_semaphore(%run_scoped3A : memref<!tpu.dma_semaphore, #tpu.memory_space<semaphore_mem>>)
      %dma_wait3A_21 = arith.constant 0 : i32
      %dma_wait3A_22 = tpu.memref_slice %arg4[%add3A_16, %dma_wait3A_21] : memref<8192x128xf32, #tpu.memory_space<hbm>> -> memref<128x128xf32, #tpu.memory_space<hbm>>
      %dma_wait3A_23 = arith.constant 0 : i32
      %dma_wait3A_24 = tpu.memref_slice %arg4[%add3A_16, %dma_wait3A_23] : memref<8192x128xf32, #tpu.memory_space<hbm>> -> memref<128x128xf32, #tpu.memory_space<hbm>>
      tpu.wait_dma2 semaphore(%run_scoped3A : memref<!tpu.dma_semaphore, #tpu.memory_space<semaphore_mem>>) src(%arg8 : memref<128x128xf32, #tpu.memory_space<vmem>>) dst(%dma_wait3A_24 : memref<128x128xf32, #tpu.memory_space<hbm>>)
      tpu.yield
    }) : () -> ()
    return
  }
}

module attributes {stable_mosaic.version = 14 : i64} {
  func.func @_vq_argmin_body(%arg0: i32, %arg1: memref<1x8192xf32, #tpu.memory_space<vmem>>, %arg2: memref<512x1xf32, #tpu.memory_space<vmem>>, %arg3: memref<8192x32xf32, #tpu.memory_space<vmem>>, %arg4: memref<512x32xf32, #tpu.memory_space<vmem>>, %arg5: memref<1x8192xi32, #tpu.memory_space<vmem>>, %arg6: memref<1x1xf32, #tpu.memory_space<vmem>>, %arg7: memref<1x8192xf32, #tpu.memory_space<vmem>>, %arg8: memref<1x8192xi32, #tpu.memory_space<vmem>>, %arg9: memref<1x8192xf32, #tpu.memory_space<vmem>>, %arg10: memref<1x8192xf32, #tpu.memory_space<vmem>>, %arg11: memref<1x8192xi32, #tpu.memory_space<vmem>>) attributes {dimension_semantics = [#tpu.dimension_semantics<arbitrary>], iteration_bounds = array<i64: 16>, scalar_prefetch = 0 : i64, scratch_operands = 5 : i64, tpu.core_type = #tpu.core_type<tc>, window_params = [{pipeline_mode = #tpu.pipeline_mode<synchronous>, transform_indices = @transform_0, window_bounds = array<i64: 1, 8192>}, {transform_indices = @transform_1, window_bounds = array<i64: 512, 1>}, {pipeline_mode = #tpu.pipeline_mode<synchronous>, transform_indices = @transform_2, window_bounds = array<i64: 8192, 32>}, {transform_indices = @transform_3, window_bounds = array<i64: 512, 32>}, {pipeline_mode = #tpu.pipeline_mode<synchronous>, transform_indices = @transform_4, window_bounds = array<i64: 1, 8192>}, {pipeline_mode = #tpu.pipeline_mode<synchronous>, transform_indices = @transform_5, window_bounds = array<i64: 1, 1>}]} {
    %get3A = arith.constant 0 : index
    %get3A_0 = arith.constant 0 : index
    %get3A_1 = vector.load %arg3[%get3A, %get3A_0] : memref<8192x32xf32, #tpu.memory_space<vmem>>, vector<8192x32xf32>
    %get3A_2 = arith.constant 0 : index
    %get3A_3 = arith.constant 0 : index
    %get3A_4 = vector.load %arg4[%get3A_2, %get3A_3] : memref<512x32xf32, #tpu.memory_space<vmem>>, vector<512x32xf32>
    %dot_general3A = arith.constant dense<0.000000e+00> : vector<512x8192xf32>
    %dot_general3A_5 = tpu.matmul %get3A_4, %get3A_1, %dot_general3A {dimension_numbers = #tpu.dot_dimension_numbers<[1], [1], [0], [0], [0, 0, 1, 0], [], []>, transpose_lhs_hint = false} : vector<512x32xf32>, vector<8192x32xf32>, vector<512x8192xf32> -> vector<512x8192xf32>
    %get3A_6 = arith.constant 0 : index
    %get3A_7 = arith.constant 0 : index
    %get3A_8 = vector.load %arg2[%get3A_6, %get3A_7] : memref<512x1xf32, #tpu.memory_space<vmem>>, vector<512x1xf32>
    %get3A_9 = arith.constant 0 : index
    %get3A_10 = arith.constant 0 : index
    %get3A_11 = vector.load %arg1[%get3A_9, %get3A_10] : memref<1x8192xf32, #tpu.memory_space<vmem>>, vector<1x8192xf32>
    %add3A = vector.broadcast %get3A_8 : vector<512x1xf32> to vector<512x8192xf32>
    %add3A_12 = vector.broadcast %get3A_11 : vector<1x8192xf32> to vector<512x8192xf32>
    %add3A_13 = arith.addf %add3A, %add3A_12 : vector<512x8192xf32>
    %sub3A = arith.subf %add3A_13, %dot_general3A_5 : vector<512x8192xf32>
    %reduce_min3A = arith.constant dense<0x7F800000> : vector<8192xf32>
    %reduce_min3A_14 = vector.multi_reduction <minimumf>, %sub3A, %reduce_min3A [0] : vector<512x8192xf32> to vector<8192xf32>
    %broadcast_in_dim3A = vector.shape_cast %reduce_min3A_14 : vector<8192xf32> to vector<1x8192xf32>
    %iota3A = tpu.iota {dimensions = array<i32: 0>} : vector<512x1xi32>
    %convert_element_type3A = arith.sitofp %iota3A : vector<512x1xi32> to vector<512x1xf32>
    %eq3A = vector.broadcast %broadcast_in_dim3A : vector<1x8192xf32> to vector<512x8192xf32>
    %eq3A_15 = arith.cmpf oeq, %sub3A, %eq3A : vector<512x8192xf32>
    %jit3A = arith.constant 8.192000e+03 : f32
    %broadcast_in_dim3A_16 = vector.shape_cast %convert_element_type3A : vector<512x1xf32> to vector<512x1xf32>
    %broadcast_in_dim3A_17 = vector.broadcast %broadcast_in_dim3A_16 : vector<512x1xf32> to vector<512x8192xf32>
    %broadcast_in_dim3A_18 = vector.broadcast %jit3A : f32 to vector<512x8192xf32>
    %select_n3A = arith.select %eq3A_15, %broadcast_in_dim3A_17, %broadcast_in_dim3A_18 : vector<512x8192xi1>, vector<512x8192xf32>
    %reduce_min3A_19 = arith.constant dense<0x7F800000> : vector<8192xf32>
    %reduce_min3A_20 = vector.multi_reduction <minimumf>, %select_n3A, %reduce_min3A_19 [0] : vector<512x8192xf32> to vector<8192xf32>
    %broadcast_in_dim3A_21 = vector.shape_cast %reduce_min3A_20 : vector<8192xf32> to vector<1x8192xf32>
    %convert_element_type3A_22 = arith.fptosi %broadcast_in_dim3A_21 : vector<1x8192xf32> to vector<1x8192xi32>
    %mul3A = arith.constant 512 : i32
    %mul3A_23 = arith.muli %arg0, %mul3A : i32
    %add3A_24 = vector.broadcast %mul3A_23 : i32 to vector<1x8192xi32>
    %add3A_25 = arith.addi %convert_element_type3A_22, %add3A_24 : vector<1x8192xi32>
    %eq3A_26 = arith.constant 0 : i32
    %eq3A_27 = arith.cmpi eq, %arg0, %eq3A_26 : i32
    %convert_element_type3A_28 = arith.extui %eq3A_27 : i1 to i32
    %cond3A = arith.constant 0 : i32
    %cond3A_29 = arith.cmpi ne, %convert_element_type3A_28, %cond3A : i32
    scf.if %cond3A_29 {
      %broadcast_in_dim3A_93 = arith.constant 0x7F800000 : f32
      %broadcast_in_dim3A_94 = vector.broadcast %broadcast_in_dim3A_93 : f32 to vector<1x8192xf32>
      %swap3A = arith.constant 0 : index
      %swap3A_95 = arith.constant 0 : index
      %swap3A_96 = vector.load %arg9[%swap3A, %swap3A_95] : memref<1x8192xf32, #tpu.memory_space<vmem>>, vector<1x8192xf32>
      tpu.vector_store %arg9[%swap3A, %swap3A_95], %broadcast_in_dim3A_94 {strides = array<i32>} : memref<1x8192xf32, #tpu.memory_space<vmem>>, vector<1x8192xf32>,
      %broadcast_in_dim3A_97 = arith.constant 0.000000e+00 : f32
      %broadcast_in_dim3A_98 = vector.broadcast %broadcast_in_dim3A_97 : f32 to vector<1x8192xf32>
      %swap3A_99 = arith.constant 0 : index
      %swap3A_100 = arith.constant 0 : index
      %swap3A_101 = vector.load %arg10[%swap3A_99, %swap3A_100] : memref<1x8192xf32, #tpu.memory_space<vmem>>, vector<1x8192xf32>
      tpu.vector_store %arg10[%swap3A_99, %swap3A_100], %broadcast_in_dim3A_98 {strides = array<i32>} : memref<1x8192xf32, #tpu.memory_space<vmem>>, vector<1x8192xf32>,
      %broadcast_in_dim3A_102 = arith.constant 0 : i32
      %broadcast_in_dim3A_103 = vector.broadcast %broadcast_in_dim3A_102 : i32 to vector<1x8192xi32>
      %swap3A_104 = arith.constant 0 : index
      %swap3A_105 = arith.constant 0 : index
      %swap3A_106 = vector.load %arg11[%swap3A_104, %swap3A_105] : memref<1x8192xi32, #tpu.memory_space<vmem>>, vector<1x8192xi32>
      tpu.vector_store %arg11[%swap3A_104, %swap3A_105], %broadcast_in_dim3A_103 {strides = array<i32>} : memref<1x8192xi32, #tpu.memory_space<vmem>>, vector<1x8192xi32>,
    } else {
    }
    %jit3A_30 = arith.constant 4 : i32
    %eq3A_31 = arith.constant 0 : i32
    %eq3A_32 = arith.cmpi eq, %jit3A_30, %eq3A_31 : i32
    %jit3A_33 = arith.constant 1 : i32
    %select_n3A_34 = arith.select %eq3A_32, %jit3A_33, %jit3A_30 : i32
    %rem3A = arith.remsi %arg0, %select_n3A_34 : i32
    %ne3A = arith.constant 0 : i32
    %ne3A_35 = arith.cmpi ne, %rem3A, %ne3A : i32
    %lt3A = arith.constant 0 : i32
    %lt3A_36 = arith.cmpi slt, %rem3A, %lt3A : i32
    %lt3A_37 = arith.constant 0 : i32
    %lt3A_38 = arith.cmpi slt, %select_n3A_34, %lt3A_37 : i32
    %ne3A_39 = arith.xori %lt3A_36, %lt3A_38 : i1
    %and3A = arith.andi %ne3A_39, %ne3A_35 : i1
    %add3A_40 = arith.addi %rem3A, %select_n3A_34 : i32
    %select_n3A_41 = arith.select %and3A, %add3A_40, %rem3A : i32
    %eq3A_42 = arith.constant 0 : i32
    %eq3A_43 = arith.cmpi eq, %select_n3A_41, %eq3A_42 : i32
    %convert_element_type3A_44 = arith.extui %eq3A_43 : i1 to i32
    %cond3A_45 = arith.constant 0 : i32
    %cond3A_46 = arith.cmpi ne, %convert_element_type3A_44, %cond3A_45 : i32
    scf.if %cond3A_46 {
      %swap3A = arith.constant 0 : index
      %swap3A_93 = arith.constant 0 : index
      %swap3A_94 = vector.load %arg7[%swap3A, %swap3A_93] : memref<1x8192xf32, #tpu.memory_space<vmem>>, vector<1x8192xf32>
      tpu.vector_store %arg7[%swap3A, %swap3A_93], %broadcast_in_dim3A {strides = array<i32>} : memref<1x8192xf32, #tpu.memory_space<vmem>>, vector<1x8192xf32>,
      %swap3A_95 = arith.constant 0 : index
      %swap3A_96 = arith.constant 0 : index
      %swap3A_97 = vector.load %arg8[%swap3A_95, %swap3A_96] : memref<1x8192xi32, #tpu.memory_space<vmem>>, vector<1x8192xi32>
      tpu.vector_store %arg8[%swap3A_95, %swap3A_96], %add3A_25 {strides = array<i32>} : memref<1x8192xi32, #tpu.memory_space<vmem>>, vector<1x8192xi32>,
    } else {
    }
    %jit3A_47 = arith.constant 4 : i32
    %eq3A_48 = arith.constant 0 : i32
    %eq3A_49 = arith.cmpi eq, %jit3A_47, %eq3A_48 : i32
    %jit3A_50 = arith.constant 1 : i32
    %select_n3A_51 = arith.select %eq3A_49, %jit3A_50, %jit3A_47 : i32
    %rem3A_52 = arith.remsi %arg0, %select_n3A_51 : i32
    %ne3A_53 = arith.constant 0 : i32
    %ne3A_54 = arith.cmpi ne, %rem3A_52, %ne3A_53 : i32
    %lt3A_55 = arith.constant 0 : i32
    %lt3A_56 = arith.cmpi slt, %rem3A_52, %lt3A_55 : i32
    %lt3A_57 = arith.constant 0 : i32
    %lt3A_58 = arith.cmpi slt, %select_n3A_51, %lt3A_57 : i32
    %ne3A_59 = arith.xori %lt3A_56, %lt3A_58 : i1
    %and3A_60 = arith.andi %ne3A_59, %ne3A_54 : i1
    %add3A_61 = arith.addi %rem3A_52, %select_n3A_51 : i32
    %select_n3A_62 = arith.select %and3A_60, %add3A_61, %rem3A_52 : i32
    %gt3A = arith.constant 0 : i32
    %gt3A_63 = arith.cmpi sgt, %select_n3A_62, %gt3A : i32
    %convert_element_type3A_64 = arith.extui %gt3A_63 : i1 to i32
    %cond3A_65 = arith.constant 0 : i32
    %cond3A_66 = arith.cmpi ne, %convert_element_type3A_64, %cond3A_65 : i32
    scf.if %cond3A_66 {
      %get3A_93 = arith.constant 0 : index
      %get3A_94 = arith.constant 0 : index
      %get3A_95 = vector.load %arg7[%get3A_93, %get3A_94] : memref<1x8192xf32, #tpu.memory_space<vmem>>, vector<1x8192xf32>
      %lt3A_96 = arith.cmpf olt, %broadcast_in_dim3A, %get3A_95 : vector<1x8192xf32>
      %get3A_97 = arith.constant 0 : index
      %get3A_98 = arith.constant 0 : index
      %get3A_99 = vector.load %arg7[%get3A_97, %get3A_98] : memref<1x8192xf32, #tpu.memory_space<vmem>>, vector<1x8192xf32>
      %select_n3A_100 = arith.select %lt3A_96, %broadcast_in_dim3A, %get3A_99 : vector<1x8192xi1>, vector<1x8192xf32>
      %swap3A = arith.constant 0 : index
      %swap3A_101 = arith.constant 0 : index
      %swap3A_102 = vector.load %arg7[%swap3A, %swap3A_101] : memref<1x8192xf32, #tpu.memory_space<vmem>>, vector<1x8192xf32>
      tpu.vector_store %arg7[%swap3A, %swap3A_101], %select_n3A_100 {strides = array<i32>} : memref<1x8192xf32, #tpu.memory_space<vmem>>, vector<1x8192xf32>,
      %get3A_103 = arith.constant 0 : index
      %get3A_104 = arith.constant 0 : index
      %get3A_105 = vector.load %arg8[%get3A_103, %get3A_104] : memref<1x8192xi32, #tpu.memory_space<vmem>>, vector<1x8192xi32>
      %select_n3A_106 = arith.select %lt3A_96, %add3A_25, %get3A_105 : vector<1x8192xi1>, vector<1x8192xi32>
      %swap3A_107 = arith.constant 0 : index
      %swap3A_108 = arith.constant 0 : index
      %swap3A_109 = vector.load %arg8[%swap3A_107, %swap3A_108] : memref<1x8192xi32, #tpu.memory_space<vmem>>, vector<1x8192xi32>
      tpu.vector_store %arg8[%swap3A_107, %swap3A_108], %select_n3A_106 {strides = array<i32>} : memref<1x8192xi32, #tpu.memory_space<vmem>>, vector<1x8192xi32>,
    } else {
    }
    %jit3A_67 = arith.constant 4 : i32
    %eq3A_68 = arith.constant 0 : i32
    %eq3A_69 = arith.cmpi eq, %jit3A_67, %eq3A_68 : i32
    %jit3A_70 = arith.constant 1 : i32
    %select_n3A_71 = arith.select %eq3A_69, %jit3A_70, %jit3A_67 : i32
    %rem3A_72 = arith.remsi %arg0, %select_n3A_71 : i32
    %ne3A_73 = arith.constant 0 : i32
    %ne3A_74 = arith.cmpi ne, %rem3A_72, %ne3A_73 : i32
    %lt3A_75 = arith.constant 0 : i32
    %lt3A_76 = arith.cmpi slt, %rem3A_72, %lt3A_75 : i32
    %lt3A_77 = arith.constant 0 : i32
    %lt3A_78 = arith.cmpi slt, %select_n3A_71, %lt3A_77 : i32
    %ne3A_79 = arith.xori %lt3A_76, %lt3A_78 : i1
    %and3A_80 = arith.andi %ne3A_79, %ne3A_74 : i1
    %add3A_81 = arith.addi %rem3A_72, %select_n3A_71 : i32
    %select_n3A_82 = arith.select %and3A_80, %add3A_81, %rem3A_72 : i32
    %eq3A_83 = arith.constant 3 : i32
    %eq3A_84 = arith.cmpi eq, %select_n3A_82, %eq3A_83 : i32
    %convert_element_type3A_85 = arith.extui %eq3A_84 : i1 to i32
    %cond3A_86 = arith.constant 0 : i32
    %cond3A_87 = arith.cmpi ne, %convert_element_type3A_85, %cond3A_86 : i32
    scf.if %cond3A_87 {
      %get3A_93 = arith.constant 0 : index
      %get3A_94 = arith.constant 0 : index
      %get3A_95 = vector.load %arg7[%get3A_93, %get3A_94] : memref<1x8192xf32, #tpu.memory_space<vmem>>, vector<1x8192xf32>
      %get3A_96 = arith.constant 0 : index
      %get3A_97 = arith.constant 0 : index
      %get3A_98 = vector.load %arg9[%get3A_96, %get3A_97] : memref<1x8192xf32, #tpu.memory_space<vmem>>, vector<1x8192xf32>
      %lt3A_99 = arith.cmpf olt, %get3A_95, %get3A_98 : vector<1x8192xf32>
      %get3A_100 = arith.constant 0 : index
      %get3A_101 = arith.constant 0 : index
      %get3A_102 = vector.load %arg9[%get3A_100, %get3A_101] : memref<1x8192xf32, #tpu.memory_space<vmem>>, vector<1x8192xf32>
      %select_n3A_103 = arith.select %lt3A_99, %get3A_95, %get3A_102 : vector<1x8192xi1>, vector<1x8192xf32>
      %convert_element_type3A_104 = arith.truncf %select_n3A_103 : vector<1x8192xf32> to vector<1x8192xbf16>
      %convert_element_type3A_105 = arith.extf %convert_element_type3A_104 : vector<1x8192xbf16> to vector<1x8192xf32>
      %swap3A = arith.constant 0 : index
      %swap3A_106 = arith.constant 0 : index
      %swap3A_107 = vector.load %arg9[%swap3A, %swap3A_106] : memref<1x8192xf32, #tpu.memory_space<vmem>>, vector<1x8192xf32>
      tpu.vector_store %arg9[%swap3A, %swap3A_106], %convert_element_type3A_105 {strides = array<i32>} : memref<1x8192xf32, #tpu.memory_space<vmem>>, vector<1x8192xf32>,
      %get3A_108 = arith.constant 0 : index
      %get3A_109 = arith.constant 0 : index
      %get3A_110 = vector.load %arg10[%get3A_108, %get3A_109] : memref<1x8192xf32, #tpu.memory_space<vmem>>, vector<1x8192xf32>
      %select_n3A_111 = arith.select %lt3A_99, %get3A_95, %get3A_110 : vector<1x8192xi1>, vector<1x8192xf32>
      %swap3A_112 = arith.constant 0 : index
      %swap3A_113 = arith.constant 0 : index
      %swap3A_114 = vector.load %arg10[%swap3A_112, %swap3A_113] : memref<1x8192xf32, #tpu.memory_space<vmem>>, vector<1x8192xf32>
      tpu.vector_store %arg10[%swap3A_112, %swap3A_113], %select_n3A_111 {strides = array<i32>} : memref<1x8192xf32, #tpu.memory_space<vmem>>, vector<1x8192xf32>,
      %get3A_115 = arith.constant 0 : index
      %get3A_116 = arith.constant 0 : index
      %get3A_117 = vector.load %arg8[%get3A_115, %get3A_116] : memref<1x8192xi32, #tpu.memory_space<vmem>>, vector<1x8192xi32>
      %get3A_118 = arith.constant 0 : index
      %get3A_119 = arith.constant 0 : index
      %get3A_120 = vector.load %arg11[%get3A_118, %get3A_119] : memref<1x8192xi32, #tpu.memory_space<vmem>>, vector<1x8192xi32>
      %select_n3A_121 = arith.select %lt3A_99, %get3A_117, %get3A_120 : vector<1x8192xi1>, vector<1x8192xi32>
      %swap3A_122 = arith.constant 0 : index
      %swap3A_123 = arith.constant 0 : index
      %swap3A_124 = vector.load %arg11[%swap3A_122, %swap3A_123] : memref<1x8192xi32, #tpu.memory_space<vmem>>, vector<1x8192xi32>
      tpu.vector_store %arg11[%swap3A_122, %swap3A_123], %select_n3A_121 {strides = array<i32>} : memref<1x8192xi32, #tpu.memory_space<vmem>>, vector<1x8192xi32>,
    } else {
    }
    %eq3A_88 = arith.constant 15 : i32
    %eq3A_89 = arith.cmpi eq, %arg0, %eq3A_88 : i32
    %convert_element_type3A_90 = arith.extui %eq3A_89 : i1 to i32
    %cond3A_91 = arith.constant 0 : i32
    %cond3A_92 = arith.cmpi ne, %convert_element_type3A_90, %cond3A_91 : i32
    scf.if %cond3A_92 {
      %get3A_93 = arith.constant 0 : index
      %get3A_94 = arith.constant 0 : index
      %get3A_95 = vector.load %arg11[%get3A_93, %get3A_94] : memref<1x8192xi32, #tpu.memory_space<vmem>>, vector<1x8192xi32>
      %swap3A = arith.constant 0 : index
      %swap3A_96 = arith.constant 0 : index
      %swap3A_97 = vector.load %arg5[%swap3A, %swap3A_96] : memref<1x8192xi32, #tpu.memory_space<vmem>>, vector<1x8192xi32>
      tpu.vector_store %arg5[%swap3A, %swap3A_96], %get3A_95 {strides = array<i32>} : memref<1x8192xi32, #tpu.memory_space<vmem>>, vector<1x8192xi32>,
      %broadcast_in_dim3A_98 = arith.constant 9.53674316E-7 : f32
      %broadcast_in_dim3A_99 = vector.broadcast %broadcast_in_dim3A_98 : f32 to vector<1x1xf32>
      %get3A_100 = arith.constant 0 : index
      %get3A_101 = arith.constant 0 : index
      %get3A_102 = vector.load %arg10[%get3A_100, %get3A_101] : memref<1x8192xf32, #tpu.memory_space<vmem>>, vector<1x8192xf32>
      %reduce_sum3A = vector.shape_cast %get3A_102 : vector<1x8192xf32> to vector<1x1x8192xf32>
      %reduce_sum3A_103 = arith.constant dense<0.000000e+00> : vector<1xf32>
      %reduce_sum3A_104 = vector.multi_reduction <add>, %reduce_sum3A, %reduce_sum3A_103 [1, 2] : vector<1x1x8192xf32> to vector<1xf32>
      %reduce_sum3A_105 = vector.shape_cast %reduce_sum3A_104 : vector<1xf32> to vector<1x1x1xf32>
      %reduce_sum3A_106 = vector.extract %reduce_sum3A_105[0, 0, 0] : f32 from vector<1x1x1xf32>
      %mul3A_107 = vector.broadcast %reduce_sum3A_106 : f32 to vector<1x1xf32>
      %mul3A_108 = arith.mulf %broadcast_in_dim3A_99, %mul3A_107 : vector<1x1xf32>
      %swap3A_109 = arith.constant 0 : index
      %swap3A_110 = arith.constant 0 : index
      %swap3A_111 = vector.load %arg6[%swap3A_109, %swap3A_110] : memref<1x1xf32, #tpu.memory_space<vmem>>, vector<1x1xf32>
      tpu.vector_store %arg6[%swap3A_109, %swap3A_110], %mul3A_108 {strides = array<i32>} : memref<1x1xf32, #tpu.memory_space<vmem>>, vector<1x1xf32>,
    } else {
    }
    return
  }
  func.func @transform_0(%arg0: i32) -> (i32, i32) {
    %c0_i32 = arith.constant 0 : i32
    %c0_i32_0 = arith.constant 0 : i32
    %c0_i32_1 = arith.constant 0 : i32
    return %c0_i32, %c0_i32_0 : i32, i32
  }
  func.func @transform_1(%arg0: i32) -> (i32, i32) {
    %c0_i32 = arith.constant 0 : i32
    %c0_i32_0 = arith.constant 0 : i32
    return %arg0, %c0_i32 : i32, i32
  }
  func.func @transform_2(%arg0: i32) -> (i32, i32) {
    %c0_i32 = arith.constant 0 : i32
    %c0_i32_0 = arith.constant 0 : i32
    %c0_i32_1 = arith.constant 0 : i32
    return %c0_i32, %c0_i32_0 : i32, i32
  }
  func.func @transform_3(%arg0: i32) -> (i32, i32) {
    %c0_i32 = arith.constant 0 : i32
    %c0_i32_0 = arith.constant 0 : i32
    return %arg0, %c0_i32 : i32, i32
  }
  func.func @transform_4(%arg0: i32) -> (i32, i32) {
    %c0_i32 = arith.constant 0 : i32
    %c0_i32_0 = arith.constant 0 : i32
    %c0_i32_1 = arith.constant 0 : i32
    return %c0_i32, %c0_i32_0 : i32, i32
  }
  func.func @transform_5(%arg0: i32) -> (i32, i32) {
    %c0_i32 = arith.constant 0 : i32
    %c0_i32_0 = arith.constant 0 : i32
    %c0_i32_1 = arith.constant 0 : i32
    return %c0_i32, %c0_i32_0 : i32, i32
  }
}

</mosaic_0001>

<sc_bundles>
// kernel: kernel.4.cloned.1.call-start
scs
__scs_entry_jumppad:
0x0: {  	(pc) =	sbr.rel $0x88, $3  }
0x1: {  	(tag) =	ssettag $0x0;
	lr =	simm.s32 $0x1  }
0x2: {  	[smem:$0x3F9F] =	sst lr;
	_ =	strace $0xD0000000  }
0x3: {  	_ = 	snop  }
0x4: {  	_ = 	snop  }
0x5: {  	_ = 	snop  }
0x6: {  	_ = 	snop  }
0x7: {  	_ = 	snop  }
__scs_overlays_trampoline_lowered:
0x8: {  	[smem:$0x3FAE] =	sst s0  }
0x9: {  	[smem:$0x3FAF] =	sst s1  }
0xa: {  	[smem:$0x3FB0] =	sst s2  }
0xb: {  	[smem:$0x3FB1] =	sst s3  }
0xc: {  	[smem:$0x3FB2] =	sst s4  }
0xd: {  	[smem:$0x3FB3] =	sst s5  }
0xe: {  	[smem:$0x3FB4] =	sst s6  }
0xf: {  	[smem:$0x3FB5] =	sst s7  }
0x10: {  	[smem:$0x3FB6] =	sst s8  }
0x11: {  	[smem:$0x3FB7] =	sst s9;
	s0 =	simm.s32 @!p0 $0x0  }
0x12: {  	s1 =	sld [smem:$0x3F9D];
	s0 =	simm.s32 @p0 $0x1  }
0x13: {  	[smem:$0x3FB8] =	sst s0;
	s0 =	simm.s32 @!p1 $0x0  }
0x14: {  	s2 =	sld [smem:$0x3F9C];
	s0 =	simm.s32 @p1 $0x1  }
0x15: {  	[smem:$0x3FB9] =	sst s0;
	s0 =	simm.s32 @!p2 $0x0  }
0x16: {  	s3 =	sld [smem:$0x3FDB];
	s0 =	simm.s32 @p2 $0x1  }
0x17: {  	s4 =	simm.s32 $0x1BF5;
	[smem:$0x3FBB] =	sst s0  }
0x18: {  	s0 =	sld [smem:$0x3F9E];
	_ =	swait.ge [sflag:s4], $0x0  }
0x19: {  	s7 =	sld [smem:$0x3F9F]  }
0x1a: {  	s8 =	sadd.s32 $0xFFFFE003, lr  }
0x1b: {  	s9 =	sadd.s32 $0xFFFFFEF7, lr;
	s5 =	simm.s32 $0xFFFFFFFF;
	p2 =	slt.u32 s8, $0xFFFFF086  }
0x1c: {  	p1 =	slt.u32 s9, $0xF7A;
	s5 =	simm.s32 @!p2 $0x0  }
0x1d: {  	s5 =	simm.s32 @p1 $0x1;
	p0 =	seq.s32 s7, s2  }
0x1e: {  	s7 =	smul.u32 @!p0 $0xF7A, s2;
	p2 =	seq.s32 @!p0 s5, $0x0  }
0x1f: {  	s9 =	smul.u32 $0xF7A, s1;
	s8 =	simm.s32 @!p0 $0x1BF5;
	p2 =	por !p2, p0  }
0x20: {  	[sflag:s8] =	ssyncset.s32 @!p0 $0xFFFFF086;
	s6 =	sadd.s32 @!p0 s3, s7;
	s7 =	simm.s32 @!p0 $0x108  }
0x21: {  	s3 =	sadd.s32 s3, s9;
	s6 =	sadd.s32 @!p0 $0x88, s6;
	s7 =	simm.s32 @p2 $0x1082  }
0x22: {  	[simem:s7], [sflag:s8] =	dma.local @!p0 [hbm:s6], $0xF7A  }
0x23: {  	s9 =	sor.u32 $0xD0000000, s2;
	s6 =	simm.s32 $0x108;
	_ =	swait.ge @!p0 [sflag:s8], $0x0  }
0x24: {  	s3 =	sadd.s32 $0x88, s3;
	s6 =	simm.s32 @!p1 $0x1082;
	[sflag:s4] =	ssyncset.s32 $0xFFFFF086  }
0x25: {  	[simem:s6], [sflag:s4] =	dma.local [hbm:s3], $0xF7A  }
0x26: {  	[smem:$0x3F9F] =	sst s1;
	(tag) =	ssettag s2;
	_ =	strace s9  }
0x27: {  	s1 =	sld [smem:$0x3FAF]  }
0x28: {  	s2 =	sld [smem:$0x3FB0]  }
0x29: {  	s4 =	sld [smem:$0x3FB2]  }
0x2a: {  	p0 =	seq.s32 s5, $0x0;
	s5 =	sld [smem:$0x3FB3]  }
0x2b: {  	s6 =	sld [smem:$0x3FB4]  }
0x2c: {  	s7 =	sld [smem:$0x3FB5]  }
0x2d: {  	s3 =	simm.s32 $0x108;
	s8 =	sld [smem:$0x3FB6]  }
0x2e: {  	s3 =	simm.s32 @!p0 $0x1082;
	s9 =	sld [smem:$0x3FB7]  }
0x2f: {  	lr =	sadd.s32 s0, s3;
	s0 =	sld [smem:$0x3FAE]  }
0x30: {  	s3 =	sld [smem:$0x3FB1]  }
0x31: {  	[smem:$0x3FBA] =	sst s10  }
0x32: {  	s10 =	sld [smem:$0x3FB8];
	_ =	sdelay $0x3  }
0x33: {  	p0 =	seq.s32 s10, $0x1;
	s10 =	sld [smem:$0x3FBA];
	_ =	sdelay $0x3  }
0x34: {  	[smem:$0x3FBA] =	sst s10  }
0x35: {  	s10 =	sld [smem:$0x3FB9];
	_ =	sdelay $0x3  }
0x36: {  	p1 =	seq.s32 s10, $0x1;
	s10 =	sld [smem:$0x3FBA];
	_ =	sdelay $0x3  }
0x37: {  	[smem:$0x3FBA] =	sst s10  }
0x38: {  	s10 =	sld [smem:$0x3FBB]  }
0x39: {  	_ = 	snop;
	(pc) =	sbr.ind lr, $3  }
0x3a: {  	_ = 	snop  }
0x3b: {  	_ = 	snop  }
0x3c: {  	p2 =	seq.s32 s10, $0x1;
	s10 =	sld [smem:$0x3FBA]  }
0x3d: {  	_ =	shalt  }
0x3e: {  	_ =	shalt  }
0x3f: {  	_ =	shalt  }
0x40: {  	_ =	shalt  }
0x41: {  	_ =	shalt  }
0x42: {  	_ =	shalt  }
0x43: {  	_ =	shalt  }
0x44: {  	_ =	shalt  }
0x45: {  	_ =	shalt  }
0x46: {  	_ =	shalt  }
0x47: {  	_ =	shalt  }
0x48: {  	_ =	shalt  }
0x49: {  	_ =	shalt  }
0x4a: {  	_ =	shalt  }
0x4b: {  	_ =	shalt  }
0x4c: {  	_ =	shalt  }
0x4d: {  	_ =	shalt  }
0x4e: {  	_ =	shalt  }
0x4f: {  	_ =	shalt  }
0x50: {  	_ =	shalt  }
0x51: {  	_ =	shalt  }
0x52: {  	_ =	shalt  }
0x53: {  	_ =	shalt  }
0x54: {  	_ =	shalt  }
0x55: {  	_ =	shalt  }
0x56: {  	_ =	shalt  }
0x57: {  	_ =	shalt  }
0x58: {  	_ =	shalt  }
0x59: {  	_ =	shalt  }
0x5a: {  	_ =	shalt  }
0x5b: {  	_ =	shalt  }
0x5c: {  	_ =	shalt  }
0x5d: {  	_ =	shalt  }
0x5e: {  	_ =	shalt  }
0x5f: {  	_ =	shalt  }
0x60: {  	_ =	shalt  }
0x61: {  	_ =	shalt  }
0x62: {  	_ =	shalt  }
0x63: {  	_ =	shalt  }
0x64: {  	_ =	shalt  }
0x65: {  	_ =	shalt  }
0x66: {  	_ =	shalt  }
0x67: {  	_ =	shalt  }
0x68: {  	_ =	shalt  }
0x69: {  	_ =	shalt  }
0x6a: {  	_ =	shalt  }
0x6b: {  	_ =	shalt  }
0x6c: {  	_ =	shalt  }
0x6d: {  	_ =	shalt  }
0x6e: {  	_ =	shalt  }
0x6f: {  	_ =	shalt  }
0x70: {  	_ =	shalt  }
0x71: {  	_ =	shalt  }
0x72: {  	_ =	shalt  }
0x73: {  	_ =	shalt  }
0x74: {  	_ =	shalt  }
0x75: {  	_ =	shalt  }
0x76: {  	_ =	shalt  }
0x77: {  	_ =	shalt  }
0x78: {  	_ =	shalt  }
0x79: {  	_ =	shalt  }
0x7a: {  	_ =	shalt  }
0x7b: {  	_ =	shalt  }
0x7c: {  	_ =	shalt  }
0x7d: {  	_ =	shalt  }
0x7e: {  	_ =	shalt  }
0x7f: {  	_ =	shalt  }
0x80: {  	_ =	shalt  }
0x81: {  	_ =	shalt  }
0x82: {  	_ =	shalt  }
0x83: {  	_ =	shalt  }
0x84: {  	_ =	shalt  }
0x85: {  	_ =	shalt  }
0x86: {  	_ =	shalt  }
0x87: {  	_ =	shalt  }
.Lfunc_end0:
.L_simem_size_0:
called_computation_lowered:
.L_overlay_start_0:
0x88: {  	s2 =	sld [smem:$0x3FD9]  }
0x89: {  	s3 =	sld [smem:$0x3FFE];
	_ =	sdelay $0x1  }
0x8a: {  	s1 =	srdreg.scid  }
0x8b: {  	s0 =	sand.u32 $0x1, s1  }
0x8c: {  	s14 =	sshll.u32 s0, $0xA;
	s2 =	sadd.s32 s3, s2  }
0x8d: {  	s2 =	sadd.s32 s2, s14  }
0x8e: {  	[smem:$0x3FC6] =	sst s2  }
0x8f: {  	_ = 	snop  }
0x90: {  	s2 =	sld [smem:$0x3FD0];
	_ =	sdelay $0x2  }
0x91: {  	s15 =	simm.s32 $0xA;
	s4 =	simm.s32 $0x10  }
0x92: {  	[smem:s4], [sflag:s15] =	dma.local [hbm:s2], $0x1  }
0x93: {  	_ =	swait.eq [sflag:s15], $0x1  }
0x94: {  	[sflag:s15] =	ssyncset.done $0x0  }
0x95: {  	[sflag:s15] =	ssyncadd.s32 $0xFFFFFFFF  }
0x96: {  	s16 =	sld [smem:$0x10];
	(tm) =	ssettm $0x1  }
0x97: {  	s17 =	sld [smem:$0x3FFB];
	_ =	sdelay $0x3  }
0x98: {  	_ =	strace s17  }
0x99: {  	s3 =	sld [smem:$0x3FFC];
	_ =	sdelay $0x3  }
0x9a: {  	_ =	strace s3  }
0x9b: {  	s3 =	sld [smem:$0x3FFD];
	_ =	sdelay $0x3  }
0x9c: {  	_ =	strace s3  }
0x9d: {  	_ =	strace $0x8FFFFFFF  }
0x9e: {  	s18 =	sld [smem:$0x3FDB];
	_ =	sdelay $0x1  }
0x9f: {  	s19 =	simm.s32 $_scs_section_size  }
0xa0: {  	s5 =	simm.s32 $_size__tile_overlayer_lowered;
	s6 =	simm.s32 $_tile_overlayer_lowered  }
0xa1: {  	s22 =	simm.s32 $0x1BFF;
	s21 =	sshll.u32 s6, $0x1;
	s3 =	sadd.s32 s19, s18  }
0xa2: {  	s7 =	simm.s32 $0x0;
	s20 =	sshll.u32 s5, $0x1;
	s5 =	sadd.s32 s21, s3  }
0xa3: {  	[timem:s7], [sflag:s22] =	dma.local [hbm:s5], s20  }
0xa4: {  	_ =	swait.ge [sflag:s22], s20  }
0xa5: {  	s4 =	ssub.s32 $0x0, s20;
	[sflag:s22] =	ssyncset.done $0x0  }
0xa6: {  	[sflag:s22] =	ssyncadd.s32 s4;
	_ =	sdelay $0x1  }
0xa7: {  	s23 =	simm.s32 $0x1B8B  }
0xa8: {  	_ =	swait.ge [sflag:s23], $0x1  }
0xa9: {  	[sflag:s23] =	ssyncset.done $0x0  }
0xaa: {  	s25 =	simm.s32 $0x1B8E;
	s24 =	sld [smem:$0x3FFE];
	[sflag:s23] =	ssyncadd.s32 $0xFFFFFFFF  }
0xab: {  	s26 =	simm.s32 $execute0_lowered;
	[smem:$0x3FD2] =	sst s25  }
0xac: {  	s5 =	sshll.u32 s26, $0x1;
	_ =	strace $0x80000046;
	[dreg:$0x1] =	wrdreg $0xFFFFFFFF  }
0xad: {  	s28 =	simm.s32 $_size_execute0_lowered;
	s3 =	sadd.s32 s3, s5;
	[dreg:$0x0] =	wrdreg $0x0  }
0xae: {  	s5 =	sshll.u32 s28, $0x1;
	[dreg:$0x2] =	wrdreg s3  }
0xaf: {  	[dreg:$0x3] =	wrdreg s5  }
0xb0: {  	[dreg:$0x4] =	wrdreg $0xC0  }
0xb1: {  	_ =	task [dreg:s7], $0x5FFFF  }
0xb2: {  	[dreg:$0x1] =	wrdreg $0xFFFFFFFF  }
0xb3: {  	[dreg:$0x0] =	wrdreg $0x60  }
0xb4: {  	[dreg:$0x2] =	wrdreg s24  }
0xb5: {  	[dreg:$0x3] =	wrdreg s16  }
0xb6: {  	[dreg:$0x4] =	wrdreg $0x9  }
0xb7: {  	_ =	task.clear_ibuf [dreg:s7], $0x5FFFF;
	_ =	strace $0x90000046  }
0xb8: {  	s29 =	simm.s32 $0x9;
	_ =	strace $0x80000048  }
0xb9: {  	_ =	swait.ge [sflag:s29], $0x1  }
0xba: {  	[sflag:s29] =	ssyncadd.s32 $0xFFFFFFFF  }
0xbb: {  	_ =	strace $0x90000048  }
0xbc: {  	_ =	sfence  }
0xbd: {  	s30 =	sld [smem:$0x0];
	_ =	sdelay $0x2  }
0xbe: {  	s31 =	sshll.u32 s1, $0xD;
	s1 =	sshrl.u32 s1, $0x2  }
0xbf: {  	s3 =	sand.u32 $0x4000, s31;
	s1 =	sadd.s32 s1, s30  }
0xc0: {  	s0 =	sor.u32 s3, s0;
	s1 =	sshll.u32 s1, $0x11  }
0xc1: {  	s0 =	sor.u32 s1, s0  }
0xc2: {  	s0 =	sadd.s32 $0x8F2B, s0  }
0xc3: {  	[sflag:s0] =	ssyncadd.remote.s32 $0x1  }
0xc4: {  	_ =	sfence.sel $0xFFFF  }
0xc5: {  	[dreg:$0x0] =	wrdreg $0xFFFFFFFF;
	(pc) =	sbr.abs _section_cstart, $3  }
0xc6: {  	[dreg:$0x1] =	wrdreg $0xFFFFFFFF  }
0xc7: {  	_ =	task.clear_ibuf [dreg:s7], $0x2FFFF;
	_ =	strace $0x9FFFFFFF  }
0xc8: {  	(tm) =	ssettm $0x7FFFFFFF  }
0xc9: {  	_ =	shalt  }
tec
execute0_lowered:
.L_overlay_start_1:
0x0: {  	(tag) =	ssettag $0x1  }
0x1: {  	s1 =	srdreg.scid  }
0x2: {  	s2 =	rddreg [dreg:$0x0];
	s0 =	stileid.u32;
	s12 =	sand.u32 $0x1, s1  }
0x3: {  	s6 =	rddreg [dreg:$0x1];
	s4 =	sshll.u32 s0, $0x9;
	s5 =	sshll.u32 s12, $0x8  }
0x4: {  	s3 =	simm.s32 $0x0;
	s1 =	rddreg [dreg:$0x2];
	s13 =	sor.u32 s5, s4  }
0x5: {  	[smem:$0x7FF] =	sst s3;
	s4 =	sshrl.u32 s13, $0x3  }
0x6: {  	_ =	strace $0x80000047;
	s5 =	sadd.s32 s6, s4;
	s4 =	simm.s32 $0x3  }
0x7: {  	[tilespmem:s3], [sflag:$0x3] =	stream.linear.gather [hbm4b:s5+s3], $0x80, $0x38;
	[tilespmem:$0x8100] =	vst v63  }
0x8: {  	s14 =	sor.u32 $0x80, s13;
	_ =	swait.ge [sflag:s4], $0x80  }
0x9: {  	s7 =	sshrl.u32 s14, $0x3;
	[sflag:s4] =	ssyncset.done $0x0  }
0xa: {  	s6 =	sadd.s32 s6, s7;
	s7 =	simm.s32 $0x80;
	[sflag:s4] =	ssyncadd.s32 $0xFFFFFF80  }
0xb: {  	[tilespmem:s7], [sflag:$0x3] =	stream.linear.gather [hbm4b:s6+s3], $0x80, $0x38;
	[tilespmem:$0x8100] =	vst v63  }
0xc: {  	_ =	swait.ge [sflag:s4], $0x80  }
0xd: {  	[sflag:s4] =	ssyncset.done $0x0  }
0xe: {  	s8 =	simm.s32 $0x100;
	[sflag:s4] =	ssyncadd.s32 $0xFFFFFF80  }
0xf: {  	[tilespmem:s8], [sflag:$0x1] =	stream.indirect.gather [hbm4b:s2+s7], $0x80, s3, s7, $0xb8;
	[tilespmem:$0x8100] =	vst v63  }
0x10: {  	s9 =	simm.s32 $0x4100;
	s10 =	simm.s32 $0x1  }
0x11: {  	[tilespmem:s9], [sflag:$0x2] =	stream.indirect.gather [hbm4b:s2+s7], $0x80, s7, s7, $0xb8;
	[tilespmem:$0x8100] =	vst v63  }
0x12: {  	_ =	swait.ge [sflag:s10], $0x4000  }
0x13: {  	[sflag:s10] =	ssyncset.done $0x0  }
0x14: {  	s11 =	simm.s32 $0x2;
	s16 =	ssub.s32 $0x2, s12;
	[sflag:s10] =	ssyncadd.s32 $0xFFFFC000  }
0x15: {  	s15 =	sadd.s32 $0x20000, s2;
	s29 =	sshrl.u32 s16, $0x1;
	_ =	swait.ge [sflag:s11], $0x4000  }
0x16: {  	s13 =	sshll.u32 s13, $0x4;
	s16 =	ssub.s32 s16, s29;
	[sflag:s11] =	ssyncset.done $0x0  }
0x17: {  	s12 =	sadd.s32 s15, s13;
	s31 =	smax.u32 s16, $0x1;
	[sflag:s11] =	ssyncadd.s32 $0xFFFFC000  }
0x18: {  	[hbm4b:s12+s3] =	stream.linear.scatter [tilespmem:s8], [sflag:$0x3], $0x4000, $0x38;
	[tilespmem:$0x8100] =	vst v63  }
0x19: {  	p0 =	sne.s32 s31, $0x1;
	_ =	swait.ge [sflag:s4], $0x4000  }
.Ltmp0:
0x1a: {  	s30 =	sshll.u32 s14, $0x4;
	[sflag:s4] =	ssyncset.done $0x0;
	(pc) =	sbr.rel @!p0 .LBB2_2-.Ltmp0, $4  }
0x1b: {  	s13 =	sadd.s32 s15, s30;
	[sflag:s4] =	ssyncadd.s32 $0xFFFFC000  }
0x1c: {  	[hbm4b:s13+s3] =	stream.linear.scatter [tilespmem:s9], [sflag:$0x3], $0x4000, $0x38;
	[tilespmem:$0x8100] =	vst v63  }
0x1d: {  	_ =	swait.ge [sflag:s4], $0x4000  }
0x1e: {  	s14 =	sadd.s32 $0xFFFFFFFF, s31;
	[sflag:s4] =	ssyncset.done $0x0  }
.LBB2_1:
0x1f: {  	p0 =	sne.s32 s14, $0x1;
	s14 =	sadd.s32 $0xFFFFFFFF, s14;
	[sflag:s4] =	ssyncadd.s32 $0xFFFFC000  }
0x20: {  	[tilespmem:s3], [sflag:$0x3] =	stream.linear.gather [hbm4b:s5+s3], $0x80, $0x38;
	[tilespmem:$0x8100] =	vst v63  }
0x21: {  	_ =	swait.ge [sflag:s4], $0x80  }
0x22: {  	[sflag:s4] =	ssyncset.done $0x0  }
0x23: {  	[sflag:s4] =	ssyncadd.s32 $0xFFFFFF80  }
0x24: {  	[tilespmem:s7], [sflag:$0x3] =	stream.linear.gather [hbm4b:s6+s3], $0x80, $0x38;
	[tilespmem:$0x8100] =	vst v63  }
0x25: {  	_ =	swait.ge [sflag:s4], $0x80  }
0x26: {  	[sflag:s4] =	ssyncset.done $0x0  }
0x27: {  	[sflag:s4] =	ssyncadd.s32 $0xFFFFFF80  }
0x28: {  	[tilespmem:s8], [sflag:$0x1] =	stream.indirect.gather [hbm4b:s2+s7], $0x80, s3, s7, $0xb8;
	[tilespmem:$0x8100] =	vst v63  }
0x29: {  	_ = 	snop  }
0x2a: {  	[tilespmem:s9], [sflag:$0x2] =	stream.indirect.gather [hbm4b:s2+s7], $0x80, s7, s7, $0xb8;
	[tilespmem:$0x8100] =	vst v63  }
0x2b: {  	_ =	swait.ge [sflag:s10], $0x4000  }
0x2c: {  	[sflag:s10] =	ssyncset.done $0x0  }
0x2d: {  	[sflag:s10] =	ssyncadd.s32 $0xFFFFC000  }
0x2e: {  	_ =	swait.ge [sflag:s11], $0x4000  }
0x2f: {  	[sflag:s11] =	ssyncset.done $0x0  }
0x30: {  	[sflag:s11] =	ssyncadd.s32 $0xFFFFC000  }
0x31: {  	[hbm4b:s12+s3] =	stream.linear.scatter [tilespmem:s8], [sflag:$0x3], $0x4000, $0x38;
	[tilespmem:$0x8100] =	vst v63  }
0x32: {  	_ =	swait.ge [sflag:s4], $0x4000  }
.Ltmp1:
0x33: {  	[sflag:s4] =	ssyncset.done $0x0;
	(pc) =	sbr.rel @p0 .LBB2_1-.Ltmp1, $4  }
0x34: {  	[sflag:s4] =	ssyncadd.s32 $0xFFFFC000  }
0x35: {  	[hbm4b:s13+s3] =	stream.linear.scatter [tilespmem:s9], [sflag:$0x3], $0x4000, $0x38;
	[tilespmem:$0x8100] =	vst v63  }
0x36: {  	_ =	swait.ge [sflag:s4], $0x4000  }
0x37: {  	[sflag:s4] =	ssyncset.done $0x0  }
.LBB2_2:
0x38: {  	[sflag:s4] =	ssyncadd.s32 $0xFFFFC000  }
0x39: {  	_ =	sfence.sel $0x180000  }
0x3a: {  	[bflag:$0x0] =	sbarrier.arrive $0xFFFF  }
0x3b: {  	p0 =	sne.s32 s0, $0x0;
	_ =	strace $0x90000047  }
0x3c: {  	s0 =	sadd.s32 @!p0 $0x100000, s1;
	[bflag:$0x2] =	sbarrier.arrive $0xFFFF  }
0x3d: {  	[sflag:s0] =	ssyncadd.tile.s32 @!p0 $0x1;
	_ =	shalt  }
.Lfunc_end2:
_tile_overlayer_lowered:
.L_overlay_start_2:
0x3e: {  	(tag) =	ssettag $0x2  }
0x3f: {  	s0 =	rddreg [dreg:$0x0];
	s2 =	stileid.u32  }
0x40: {  	s1 =	rddreg [dreg:$0x1];
	p0 =	sne.s32 s2, $0x0  }
0x41: {  	s3 =	rddreg [dreg:$0x2];
	[bflag:$0x3] =	sbarrier.arrive $0xFFFF;
	s2 =	simm.s32 @!p0 $0x1C03  }
0x42: {  	[timem:s3], [sflag:s2] =	dma.local @!p0 [hbm:s0], s1  }
0x43: {  	s0 =	simm.s32 @!p0 $0x3  }
0x44: {  	_ =	swait.ge @!p0 [sflag:s0], s1  }
0x45: {  	s1 =	ssub.s32 @!p0 $0x0, s1;
	[sflag:s0] =	ssyncset.done @!p0 $0x0  }
0x46: {  	[sflag:s0] =	ssyncadd.s32 @!p0 s1  }
0x47: {  	[bflag:$0x3] =	sbarrier.arrive $0xFFFF  }
0x48: {  	_ =	shalt  }

</sc_bundles>
